<compile_context>
chip_gen: v7x
topology: tpu7x:2x2x1
jax: 0.10.2.dev20260603
libtpu: 0.0.44.dev20260713+nightly
codegen_flags: <defaults>
</compile_context>

<pallas_src>
import functools

import jax
import jax.numpy as jnp
from jax import lax
from jax.experimental import pallas as pl
from jax.experimental.pallas import tpu as pltpu
from jax.experimental.pallas import tpu_sc as plsc

VOCAB = 9048
VEC = 100
KPAD = 128
D_MODEL = 1024
B, L = 64, 512
N = B * L

NC, NS = 2, 16
NW = NC * NS
ROWS_PER_W = N // NW
CHUNK = 128
NCHUNK = ROWS_PER_W // CHUNK
NBUF = 6
AHEAD = 3


def _sc_gather(table_pad, idx3):
    mesh = plsc.VectorSubcoreMesh(core_axis_name="c", subcore_axis_name="s")

    @functools.partial(
        pl.kernel,
        mesh=mesh,
        out_type=jax.ShapeDtypeStruct((N, KPAD), jnp.float32),
        scratch_types=[
            pltpu.VMEM((NCHUNK, CHUNK), jnp.int32),
        ]
        + [pltpu.VMEM((CHUNK, KPAD), jnp.float32) for _ in range(NBUF)]
        + [pltpu.SemaphoreType.DMA for _ in range(2 * NBUF)],
    )
    def k(table_hbm, idx_hbm, out_hbm, idx_v, *scratch):
        bufs = scratch[:NBUF]
        gsems = scratch[NBUF : 2 * NBUF]
        wsems = scratch[2 * NBUF :]
        wid = lax.axis_index("s") * NC + lax.axis_index("c")
        base = wid * ROWS_PER_W
        pltpu.sync_copy(idx_hbm.at[wid], idx_v)

        gcopies = [None] * NBUF
        wcopies = [None] * NBUF

        def fire_gather(c):
            s = c % NBUF
            gcopies[s] = pltpu.async_copy(table_hbm.at[idx_v.at[c]], bufs[s], gsems[s])

        for c in range(min(AHEAD, NCHUNK)):
            fire_gather(c)
        for c in range(NCHUNK):
            s = c % NBUF
            nxt = c + AHEAD
            if nxt < NCHUNK:
                if nxt >= NBUF:
                    wcopies[nxt % NBUF].wait()
                fire_gather(nxt)
            gcopies[s].wait()
            wcopies[s] = pltpu.async_copy(
                bufs[s], out_hbm.at[pl.ds(base + c * CHUNK, CHUNK)], wsems[s]
            )
        for c in range(max(0, NCHUNK - NBUF), NCHUNK):
            wcopies[c % NBUF].wait()

    return k(table_pad, idx3)


BM = 4096


def _tc_project(x, w_pad, bias2d):

    def body(x_ref, w_ref, b_ref, o_ref):
        o_ref[...] = (
            jnp.dot(x_ref[...], w_ref[...], preferred_element_type=jnp.float32)
            + b_ref[...]
        )

    return pl.pallas_call(
        body,
        grid=(N // BM,),
        in_specs=[
            pl.BlockSpec((BM, KPAD), lambda i: (i, 0)),
            pl.BlockSpec((KPAD, D_MODEL), lambda i: (0, 0)),
            pl.BlockSpec((1, D_MODEL), lambda i: (0, 0)),
        ],
        out_specs=pl.BlockSpec((BM, D_MODEL), lambda i: (i, 0)),
        out_shape=jax.ShapeDtypeStruct((N, D_MODEL), jnp.float32),
    )(x, w_pad, bias2d)


def kernel(protX, table, W, b):
    idx3 = protX.reshape(-1).astype(jnp.int32).reshape(NW, NCHUNK, CHUNK)
    table_pad = jnp.pad(table, ((0, 0), (0, KPAD - VEC)))
    w_pad = jnp.pad(W, ((0, KPAD - VEC), (0, 0)))
    gathered = _sc_gather(table_pad, idx3)
    out = _tc_project(gathered, w_pad, b.reshape(1, D_MODEL))
    return out.reshape(B, L, D_MODEL)

# --- scband reference (transcript-rebuilt; emitter-appended) ---
"""Pipeline reference for scband-protein-embedder-17721035063572 (READ-ONLY COPY).

The authoritative reference and input builder live on the scoring server;
editing this copy changes nothing except your own understanding.
"""

import jax, jax.numpy as jnp
import numpy as np

VOCAB = 9048
VEC = 100
D_MODEL = 1024
B, L = 64, 512

def setup_inputs(seed: int = 0) -> dict:
    key = jax.random.key(seed)
    k1, k2, k3, k4 = jax.random.split(key, 4)
    protX = jax.random.randint(k1, (B, L), 0, VOCAB, dtype=jnp.int64)
    # frozen ProtVec embedding table (non_trainable=True)
    table = jax.random.normal(k2, (VOCAB, VEC), dtype=jnp.float32) * 0.6
    # protLinear: Linear(VEC, D_MODEL)
    bound = 1.0 / np.sqrt(VEC)
    W = jax.random.uniform(k3, (VEC, D_MODEL), dtype=jnp.float32, minval=-bound, maxval=bound)
    b = jax.random.uniform(k4, (D_MODEL,), dtype=jnp.float32, minval=-bound, maxval=bound)
    return {"protX": protX, "table": table, "W": W, "b": b}

def reference(protX, table, W, b):
    # protEmbedding = self.embed(protX)
    protEmbedding = jnp.take(table, protX, axis=0)  # [B, L, VEC]
    # emb = self.protLinear(protEmbedding)
    emb = protEmbedding @ W + b  # [B, L, D_MODEL]
    return emb

if __name__ == "__main__":
    import jax
    _d = setup_inputs()
    print(jax.jit(kernel)(*tuple(_d.values())))

</pallas_src>

<mosaic_0001>
#map = affine_map<(d0, d1) -> (0, 0)>
#map1 = affine_map<(d0, d1) -> (0, 0, 0)>
module attributes {stable_mosaic.version = 14 : i64} {
  func.func @k(%arg0: i32, %arg1: i32, %arg2: memref<9048x128xf32, #tpu.memory_space<hbm>>, %arg3: memref<32x8x128xi32, #tpu.memory_space<hbm>>, %arg4: memref<32768x128xf32, #tpu.memory_space<hbm>>, %arg5: memref<8x128xi32, #tpu.memory_space<vmem>>, %arg6: memref<128x128xf32, #tpu.memory_space<vmem>>, %arg7: memref<128x128xf32, #tpu.memory_space<vmem>>, %arg8: memref<128x128xf32, #tpu.memory_space<vmem>>, %arg9: memref<128x128xf32, #tpu.memory_space<vmem>>, %arg10: memref<128x128xf32, #tpu.memory_space<vmem>>, %arg11: memref<128x128xf32, #tpu.memory_space<vmem>>, %arg12: memref<!tpu.dma_semaphore, #tpu.memory_space<semaphore_mem>>, %arg13: memref<!tpu.dma_semaphore, #tpu.memory_space<semaphore_mem>>, %arg14: memref<!tpu.dma_semaphore, #tpu.memory_space<semaphore_mem>>, %arg15: memref<!tpu.dma_semaphore, #tpu.memory_space<semaphore_mem>>, %arg16: memref<!tpu.dma_semaphore, #tpu.memory_space<semaphore_mem>>, %arg17: memref<!tpu.dma_semaphore, #tpu.memory_space<semaphore_mem>>, %arg18: memref<!tpu.dma_semaphore, #tpu.memory_space<semaphore_mem>>, %arg19: memref<!tpu.dma_semaphore, #tpu.memory_space<semaphore_mem>>, %arg20: memref<!tpu.dma_semaphore, #tpu.memory_space<semaphore_mem>>, %arg21: memref<!tpu.dma_semaphore, #tpu.memory_space<semaphore_mem>>, %arg22: memref<!tpu.dma_semaphore, #tpu.memory_space<semaphore_mem>>, %arg23: memref<!tpu.dma_semaphore, #tpu.memory_space<semaphore_mem>>) attributes {dimension_semantics = [#tpu.dimension_semantics<core_parallel>, #tpu.dimension_semantics<subcore_parallel>], iteration_bounds = array<i64: 2, 16>, scalar_prefetch = 0 : i64, scratch_operands = 19 : i64, tpu.core_type = #tpu.core_type<sc_vector_subcore>, window_params = [{transform_indices = #map}, {transform_indices = #map1}, {transform_indices = #map}]} {
    %mul3A = arith.constant 2 : i32
    %mul3A_0 = arith.muli %arg1, %mul3A : i32
    %add3A = arith.addi %mul3A_0, %arg0 : i32
    %mul3A_1 = arith.constant 1024 : i32
    %mul3A_2 = arith.muli %add3A, %mul3A_1 : i32
    "tpu.region"() ({
      %run_scoped3A = tpu.sem_alloc : memref<!tpu.dma_semaphore, #tpu.memory_space<semaphore_mem>>
      %dma_start3A_193 = arith.constant 0 : i32
      %dma_start3A_194 = arith.constant 0 : i32
      %dma_start3A_195 = tpu.memref_slice %arg3[%add3A, %dma_start3A_193, %dma_start3A_194] : memref<32x8x128xi32, #tpu.memory_space<hbm>> -> memref<1x8x128xi32, #tpu.memory_space<hbm>>
      %dma_start3A_196 = tpu.memref_squeeze %dma_start3A_195 : memref<1x8x128xi32, #tpu.memory_space<hbm>> -> memref<8x128xi32, #tpu.memory_space<hbm>>
      %dma_start3A_197 = arith.constant 0 : i32
      %dma_start3A_198 = arith.constant 0 : i32
      %dma_start3A_199 = tpu.memref_slice %arg3[%add3A, %dma_start3A_197, %dma_start3A_198] : memref<32x8x128xi32, #tpu.memory_space<hbm>> -> memref<1x8x128xi32, #tpu.memory_space<hbm>>
      %dma_start3A_200 = tpu.memref_squeeze %dma_start3A_199 : memref<1x8x128xi32, #tpu.memory_space<hbm>> -> memref<8x128xi32, #tpu.memory_space<hbm>>
      tpu.enqueue_dma source(%dma_start3A_200 : memref<8x128xi32, #tpu.memory_space<hbm>>) target(%arg5 : memref<8x128xi32, #tpu.memory_space<vmem>>) target_semaphore(%run_scoped3A : memref<!tpu.dma_semaphore, #tpu.memory_space<semaphore_mem>>)
      %dma_wait3A_201 = arith.constant 0 : i32
      %dma_wait3A_202 = arith.constant 0 : i32
      %dma_wait3A_203 = tpu.memref_slice %arg3[%add3A, %dma_wait3A_201, %dma_wait3A_202] : memref<32x8x128xi32, #tpu.memory_space<hbm>> -> memref<1x8x128xi32, #tpu.memory_space<hbm>>
      %dma_wait3A_204 = tpu.memref_squeeze %dma_wait3A_203 : memref<1x8x128xi32, #tpu.memory_space<hbm>> -> memref<8x128xi32, #tpu.memory_space<hbm>>
      %dma_wait3A_205 = arith.constant 0 : i32
      %dma_wait3A_206 = arith.constant 0 : i32
      %dma_wait3A_207 = tpu.memref_slice %arg3[%add3A, %dma_wait3A_205, %dma_wait3A_206] : memref<32x8x128xi32, #tpu.memory_space<hbm>> -> memref<1x8x128xi32, #tpu.memory_space<hbm>>
      %dma_wait3A_208 = tpu.memref_squeeze %dma_wait3A_207 : memref<1x8x128xi32, #tpu.memory_space<hbm>> -> memref<8x128xi32, #tpu.memory_space<hbm>>
      tpu.wait_dma2 semaphore(%run_scoped3A : memref<!tpu.dma_semaphore, #tpu.memory_space<semaphore_mem>>) src(%dma_wait3A_208 : memref<8x128xi32, #tpu.memory_space<hbm>>) dst(%arg5 : memref<8x128xi32, #tpu.memory_space<vmem>>)
      tpu.yield
    }) : () -> ()
    %dma_start3A = arith.constant 0 : i32
    %dma_start3A_3 = arith.constant 0 : i32
    %dma_start3A_4 = tpu.memref_slice %arg5[%dma_start3A, %dma_start3A_3] : memref<8x128xi32, #tpu.memory_space<vmem>> -> memref<1x128xi32, #tpu.memory_space<vmem>>
    %dma_start3A_5 = tpu.memref_squeeze %dma_start3A_4 : memref<1x128xi32, #tpu.memory_space<vmem>> -> memref<128xi32, #tpu.memory_space<vmem>>
    %dma_start3A_6 = arith.constant 0 : i32
    %dma_start3A_7 = arith.constant 0 : i32
    %dma_start3A_8 = tpu.memref_slice %arg2[%dma_start3A_6, %dma_start3A_7] : memref<9048x128xf32, #tpu.memory_space<hbm>> -> memref<9048x128xf32, #tpu.memory_space<hbm>>
    tpu.enqueue_indirect_dma source(%dma_start3A_8 : memref<9048x128xf32, #tpu.memory_space<hbm>>) target(%arg6 : memref<128x128xf32, #tpu.memory_space<vmem>>) offsets(%dma_start3A_5 : memref<128xi32, #tpu.memory_space<vmem>>) semaphore(%arg12 : memref<!tpu.dma_semaphore, #tpu.memory_space<semaphore_mem>>)
    %dma_start3A_9 = arith.constant 1 : i32
    %dma_start3A_10 = arith.constant 0 : i32
    %dma_start3A_11 = tpu.memref_slice %arg5[%dma_start3A_9, %dma_start3A_10] : memref<8x128xi32, #tpu.memory_space<vmem>> -> memref<1x128xi32, #tpu.memory_space<vmem>>
    %dma_start3A_12 = tpu.memref_squeeze %dma_start3A_11 : memref<1x128xi32, #tpu.memory_space<vmem>> -> memref<128xi32, #tpu.memory_space<vmem>>
    %dma_start3A_13 = arith.constant 0 : i32
    %dma_start3A_14 = arith.constant 0 : i32
    %dma_start3A_15 = tpu.memref_slice %arg2[%dma_start3A_13, %dma_start3A_14] : memref<9048x128xf32, #tpu.memory_space<hbm>> -> memref<9048x128xf32, #tpu.memory_space<hbm>>
    tpu.enqueue_indirect_dma source(%dma_start3A_15 : memref<9048x128xf32, #tpu.memory_space<hbm>>) target(%arg7 : memref<128x128xf32, #tpu.memory_space<vmem>>) offsets(%dma_start3A_12 : memref<128xi32, #tpu.memory_space<vmem>>) semaphore(%arg13 : memref<!tpu.dma_semaphore, #tpu.memory_space<semaphore_mem>>)
    %dma_start3A_16 = arith.constant 2 : i32
    %dma_start3A_17 = arith.constant 0 : i32
    %dma_start3A_18 = tpu.memref_slice %arg5[%dma_start3A_16, %dma_start3A_17] : memref<8x128xi32, #tpu.memory_space<vmem>> -> memref<1x128xi32, #tpu.memory_space<vmem>>
    %dma_start3A_19 = tpu.memref_squeeze %dma_start3A_18 : memref<1x128xi32, #tpu.memory_space<vmem>> -> memref<128xi32, #tpu.memory_space<vmem>>
    %dma_start3A_20 = arith.constant 0 : i32
    %dma_start3A_21 = arith.constant 0 : i32
    %dma_start3A_22 = tpu.memref_slice %arg2[%dma_start3A_20, %dma_start3A_21] : memref<9048x128xf32, #tpu.memory_space<hbm>> -> memref<9048x128xf32, #tpu.memory_space<hbm>>
    tpu.enqueue_indirect_dma source(%dma_start3A_22 : memref<9048x128xf32, #tpu.memory_space<hbm>>) target(%arg8 : memref<128x128xf32, #tpu.memory_space<vmem>>) offsets(%dma_start3A_19 : memref<128xi32, #tpu.memory_space<vmem>>) semaphore(%arg14 : memref<!tpu.dma_semaphore, #tpu.memory_space<semaphore_mem>>)
    %dma_start3A_23 = arith.constant 3 : i32
    %dma_start3A_24 = arith.constant 0 : i32
    %dma_start3A_25 = tpu.memref_slice %arg5[%dma_start3A_23, %dma_start3A_24] : memref<8x128xi32, #tpu.memory_space<vmem>> -> memref<1x128xi32, #tpu.memory_space<vmem>>
    %dma_start3A_26 = tpu.memref_squeeze %dma_start3A_25 : memref<1x128xi32, #tpu.memory_space<vmem>> -> memref<128xi32, #tpu.memory_space<vmem>>
    %dma_start3A_27 = arith.constant 0 : i32
    %dma_start3A_28 = arith.constant 0 : i32
    %dma_start3A_29 = tpu.memref_slice %arg2[%dma_start3A_27, %dma_start3A_28] : memref<9048x128xf32, #tpu.memory_space<hbm>> -> memref<9048x128xf32, #tpu.memory_space<hbm>>
    tpu.enqueue_indirect_dma source(%dma_start3A_29 : memref<9048x128xf32, #tpu.memory_space<hbm>>) target(%arg9 : memref<128x128xf32, #tpu.memory_space<vmem>>) offsets(%dma_start3A_26 : memref<128xi32, #tpu.memory_space<vmem>>) semaphore(%arg15 : memref<!tpu.dma_semaphore, #tpu.memory_space<semaphore_mem>>)
    %dma_wait3A = arith.constant 0 : i32
    %dma_wait3A_30 = arith.constant 0 : i32
    %dma_wait3A_31 = tpu.memref_slice %arg5[%dma_wait3A, %dma_wait3A_30] : memref<8x128xi32, #tpu.memory_space<vmem>> -> memref<1x128xi32, #tpu.memory_space<vmem>>
    %dma_wait3A_32 = tpu.memref_squeeze %dma_wait3A_31 : memref<1x128xi32, #tpu.memory_space<vmem>> -> memref<128xi32, #tpu.memory_space<vmem>>
    %dma_wait3A_33 = arith.constant 0 : i32
    %dma_wait3A_34 = arith.constant 0 : i32
    %dma_wait3A_35 = tpu.memref_slice %arg2[%dma_wait3A_33, %dma_wait3A_34] : memref<9048x128xf32, #tpu.memory_space<hbm>> -> memref<9048x128xf32, #tpu.memory_space<hbm>>
    tpu.wait_indirect_dma semaphore(%arg12 : memref<!tpu.dma_semaphore, #tpu.memory_space<semaphore_mem>>) src(%dma_wait3A_35 : memref<9048x128xf32, #tpu.memory_space<hbm>>) dst(%arg6 : memref<128x128xf32, #tpu.memory_space<vmem>>)
    %add3A_36 = arith.constant 0 : i32
    %add3A_37 = arith.addi %mul3A_2, %add3A_36 : i32
    %dma_start3A_38 = arith.constant 0 : i32
    %dma_start3A_39 = tpu.memref_slice %arg4[%add3A_37, %dma_start3A_38] : memref<32768x128xf32, #tpu.memory_space<hbm>> -> memref<128x128xf32, #tpu.memory_space<hbm>>
    %dma_start3A_40 = arith.constant 0 : i32
    %dma_start3A_41 = tpu.memref_slice %arg4[%add3A_37, %dma_start3A_40] : memref<32768x128xf32, #tpu.memory_space<hbm>> -> memref<128x128xf32, #tpu.memory_space<hbm>>
    tpu.enqueue_dma source(%arg6 : memref<128x128xf32, #tpu.memory_space<vmem>>) target(%dma_start3A_41 : memref<128x128xf32, #tpu.memory_space<hbm>>) target_semaphore(%arg18 : memref<!tpu.dma_semaphore, #tpu.memory_space<semaphore_mem>>)
    %dma_start3A_42 = arith.constant 4 : i32
    %dma_start3A_43 = arith.constant 0 : i32
    %dma_start3A_44 = tpu.memref_slice %arg5[%dma_start3A_42, %dma_start3A_43] : memref<8x128xi32, #tpu.memory_space<vmem>> -> memref<1x128xi32, #tpu.memory_space<vmem>>
    %dma_start3A_45 = tpu.memref_squeeze %dma_start3A_44 : memref<1x128xi32, #tpu.memory_space<vmem>> -> memref<128xi32, #tpu.memory_space<vmem>>
    %dma_start3A_46 = arith.constant 0 : i32
    %dma_start3A_47 = arith.constant 0 : i32
    %dma_start3A_48 = tpu.memref_slice %arg2[%dma_start3A_46, %dma_start3A_47] : memref<9048x128xf32, #tpu.memory_space<hbm>> -> memref<9048x128xf32, #tpu.memory_space<hbm>>
    tpu.enqueue_indirect_dma source(%dma_start3A_48 : memref<9048x128xf32, #tpu.memory_space<hbm>>) target(%arg10 : memref<128x128xf32, #tpu.memory_space<vmem>>) offsets(%dma_start3A_45 : memref<128xi32, #tpu.memory_space<vmem>>) semaphore(%arg16 : memref<!tpu.dma_semaphore, #tpu.memory_space<semaphore_mem>>)
    %dma_wait3A_49 = arith.constant 1 : i32
    %dma_wait3A_50 = arith.constant 0 : i32
    %dma_wait3A_51 = tpu.memref_slice %arg5[%dma_wait3A_49, %dma_wait3A_50] : memref<8x128xi32, #tpu.memory_space<vmem>> -> memref<1x128xi32, #tpu.memory_space<vmem>>
    %dma_wait3A_52 = tpu.memref_squeeze %dma_wait3A_51 : memref<1x128xi32, #tpu.memory_space<vmem>> -> memref<128xi32, #tpu.memory_space<vmem>>
    %dma_wait3A_53 = arith.constant 0 : i32
    %dma_wait3A_54 = arith.constant 0 : i32
    %dma_wait3A_55 = tpu.memref_slice %arg2[%dma_wait3A_53, %dma_wait3A_54] : memref<9048x128xf32, #tpu.memory_space<hbm>> -> memref<9048x128xf32, #tpu.memory_space<hbm>>
    tpu.wait_indirect_dma semaphore(%arg13 : memref<!tpu.dma_semaphore, #tpu.memory_space<semaphore_mem>>) src(%dma_wait3A_55 : memref<9048x128xf32, #tpu.memory_space<hbm>>) dst(%arg7 : memref<128x128xf32, #tpu.memory_space<vmem>>)
    %add3A_56 = arith.constant 128 : i32
    %add3A_57 = arith.addi %mul3A_2, %add3A_56 : i32
    %dma_start3A_58 = arith.constant 0 : i32
    %dma_start3A_59 = tpu.memref_slice %arg4[%add3A_57, %dma_start3A_58] : memref<32768x128xf32, #tpu.memory_space<hbm>> -> memref<128x128xf32, #tpu.memory_space<hbm>>
    %dma_start3A_60 = arith.constant 0 : i32
    %dma_start3A_61 = tpu.memref_slice %arg4[%add3A_57, %dma_start3A_60] : memref<32768x128xf32, #tpu.memory_space<hbm>> -> memref<128x128xf32, #tpu.memory_space<hbm>>
    tpu.enqueue_dma source(%arg7 : memref<128x128xf32, #tpu.memory_space<vmem>>) target(%dma_start3A_61 : memref<128x128xf32, #tpu.memory_space<hbm>>) target_semaphore(%arg19 : memref<!tpu.dma_semaphore, #tpu.memory_space<semaphore_mem>>)
    %dma_start3A_62 = arith.constant 5 : i32
    %dma_start3A_63 = arith.constant 0 : i32
    %dma_start3A_64 = tpu.memref_slice %arg5[%dma_start3A_62, %dma_start3A_63] : memref<8x128xi32, #tpu.memory_space<vmem>> -> memref<1x128xi32, #tpu.memory_space<vmem>>
    %dma_start3A_65 = tpu.memref_squeeze %dma_start3A_64 : memref<1x128xi32, #tpu.memory_space<vmem>> -> memref<128xi32, #tpu.memory_space<vmem>>
    %dma_start3A_66 = arith.constant 0 : i32
    %dma_start3A_67 = arith.constant 0 : i32
    %dma_start3A_68 = tpu.memref_slice %arg2[%dma_start3A_66, %dma_start3A_67] : memref<9048x128xf32, #tpu.memory_space<hbm>> -> memref<9048x128xf32, #tpu.memory_space<hbm>>
    tpu.enqueue_indirect_dma source(%dma_start3A_68 : memref<9048x128xf32, #tpu.memory_space<hbm>>) target(%arg11 : memref<128x128xf32, #tpu.memory_space<vmem>>) offsets(%dma_start3A_65 : memref<128xi32, #tpu.memory_space<vmem>>) semaphore(%arg17 : memref<!tpu.dma_semaphore, #tpu.memory_space<semaphore_mem>>)
    %dma_wait3A_69 = arith.constant 2 : i32
    %dma_wait3A_70 = arith.constant 0 : i32
    %dma_wait3A_71 = tpu.memref_slice %arg5[%dma_wait3A_69, %dma_wait3A_70] : memref<8x128xi32, #tpu.memory_space<vmem>> -> memref<1x128xi32, #tpu.memory_space<vmem>>
    %dma_wait3A_72 = tpu.memref_squeeze %dma_wait3A_71 : memref<1x128xi32, #tpu.memory_space<vmem>> -> memref<128xi32, #tpu.memory_space<vmem>>
    %dma_wait3A_73 = arith.constant 0 : i32
    %dma_wait3A_74 = arith.constant 0 : i32
    %dma_wait3A_75 = tpu.memref_slice %arg2[%dma_wait3A_73, %dma_wait3A_74] : memref<9048x128xf32, #tpu.memory_space<hbm>> -> memref<9048x128xf32, #tpu.memory_space<hbm>>
    tpu.wait_indirect_dma semaphore(%arg14 : memref<!tpu.dma_semaphore, #tpu.memory_space<semaphore_mem>>) src(%dma_wait3A_75 : memref<9048x128xf32, #tpu.memory_space<hbm>>) dst(%arg8 : memref<128x128xf32, #tpu.memory_space<vmem>>)
    %add3A_76 = arith.constant 256 : i32
    %add3A_77 = arith.addi %mul3A_2, %add3A_76 : i32
    %dma_start3A_78 = arith.constant 0 : i32
    %dma_start3A_79 = tpu.memref_slice %arg4[%add3A_77, %dma_start3A_78] : memref<32768x128xf32, #tpu.memory_space<hbm>> -> memref<128x128xf32, #tpu.memory_space<hbm>>
    %dma_start3A_80 = arith.constant 0 : i32
    %dma_start3A_81 = tpu.memref_slice %arg4[%add3A_77, %dma_start3A_80] : memref<32768x128xf32, #tpu.memory_space<hbm>> -> memref<128x128xf32, #tpu.memory_space<hbm>>
    tpu.enqueue_dma source(%arg8 : memref<128x128xf32, #tpu.memory_space<vmem>>) target(%dma_start3A_81 : memref<128x128xf32, #tpu.memory_space<hbm>>) target_semaphore(%arg20 : memref<!tpu.dma_semaphore, #tpu.memory_space<semaphore_mem>>)
    %dma_wait3A_82 = arith.constant 0 : i32
    %dma_wait3A_83 = tpu.memref_slice %arg4[%add3A_37, %dma_wait3A_82] : memref<32768x128xf32, #tpu.memory_space<hbm>> -> memref<128x128xf32, #tpu.memory_space<hbm>>
    %dma_wait3A_84 = arith.constant 0 : i32
    %dma_wait3A_85 = tpu.memref_slice %arg4[%add3A_37, %dma_wait3A_84] : memref<32768x128xf32, #tpu.memory_space<hbm>> -> memref<128x128xf32, #tpu.memory_space<hbm>>
    tpu.wait_dma2 semaphore(%arg18 : memref<!tpu.dma_semaphore, #tpu.memory_space<semaphore_mem>>) src(%arg6 : memref<128x128xf32, #tpu.memory_space<vmem>>) dst(%dma_wait3A_85 : memref<128x128xf32, #tpu.memory_space<hbm>>)
    %dma_start3A_86 = arith.constant 6 : i32
    %dma_start3A_87 = arith.constant 0 : i32
    %dma_start3A_88 = tpu.memref_slice %arg5[%dma_start3A_86, %dma_start3A_87] : memref<8x128xi32, #tpu.memory_space<vmem>> -> memref<1x128xi32, #tpu.memory_space<vmem>>
    %dma_start3A_89 = tpu.memref_squeeze %dma_start3A_88 : memref<1x128xi32, #tpu.memory_space<vmem>> -> memref<128xi32, #tpu.memory_space<vmem>>
    %dma_start3A_90 = arith.constant 0 : i32
    %dma_start3A_91 = arith.constant 0 : i32
    %dma_start3A_92 = tpu.memref_slice %arg2[%dma_start3A_90, %dma_start3A_91] : memref<9048x128xf32, #tpu.memory_space<hbm>> -> memref<9048x128xf32, #tpu.memory_space<hbm>>
    tpu.enqueue_indirect_dma source(%dma_start3A_92 : memref<9048x128xf32, #tpu.memory_space<hbm>>) target(%arg6 : memref<128x128xf32, #tpu.memory_space<vmem>>) offsets(%dma_start3A_89 : memref<128xi32, #tpu.memory_space<vmem>>) semaphore(%arg12 : memref<!tpu.dma_semaphore, #tpu.memory_space<semaphore_mem>>)
    %dma_wait3A_93 = arith.constant 3 : i32
    %dma_wait3A_94 = arith.constant 0 : i32
    %dma_wait3A_95 = tpu.memref_slice %arg5[%dma_wait3A_93, %dma_wait3A_94] : memref<8x128xi32, #tpu.memory_space<vmem>> -> memref<1x128xi32, #tpu.memory_space<vmem>>
    %dma_wait3A_96 = tpu.memref_squeeze %dma_wait3A_95 : memref<1x128xi32, #tpu.memory_space<vmem>> -> memref<128xi32, #tpu.memory_space<vmem>>
    %dma_wait3A_97 = arith.constant 0 : i32
    %dma_wait3A_98 = arith.constant 0 : i32
    %dma_wait3A_99 = tpu.memref_slice %arg2[%dma_wait3A_97, %dma_wait3A_98] : memref<9048x128xf32, #tpu.memory_space<hbm>> -> memref<9048x128xf32, #tpu.memory_space<hbm>>
    tpu.wait_indirect_dma semaphore(%arg15 : memref<!tpu.dma_semaphore, #tpu.memory_space<semaphore_mem>>) src(%dma_wait3A_99 : memref<9048x128xf32, #tpu.memory_space<hbm>>) dst(%arg9 : memref<128x128xf32, #tpu.memory_space<vmem>>)
    %add3A_100 = arith.constant 384 : i32
    %add3A_101 = arith.addi %mul3A_2, %add3A_100 : i32
    %dma_start3A_102 = arith.constant 0 : i32
    %dma_start3A_103 = tpu.memref_slice %arg4[%add3A_101, %dma_start3A_102] : memref<32768x128xf32, #tpu.memory_space<hbm>> -> memref<128x128xf32, #tpu.memory_space<hbm>>
    %dma_start3A_104 = arith.constant 0 : i32
    %dma_start3A_105 = tpu.memref_slice %arg4[%add3A_101, %dma_start3A_104] : memref<32768x128xf32, #tpu.memory_space<hbm>> -> memref<128x128xf32, #tpu.memory_space<hbm>>
    tpu.enqueue_dma source(%arg9 : memref<128x128xf32, #tpu.memory_space<vmem>>) target(%dma_start3A_105 : memref<128x128xf32, #tpu.memory_space<hbm>>) target_semaphore(%arg21 : memref<!tpu.dma_semaphore, #tpu.memory_space<semaphore_mem>>)
    %dma_wait3A_106 = arith.constant 0 : i32
    %dma_wait3A_107 = tpu.memref_slice %arg4[%add3A_57, %dma_wait3A_106] : memref<32768x128xf32, #tpu.memory_space<hbm>> -> memref<128x128xf32, #tpu.memory_space<hbm>>
    %dma_wait3A_108 = arith.constant 0 : i32
    %dma_wait3A_109 = tpu.memref_slice %arg4[%add3A_57, %dma_wait3A_108] : memref<32768x128xf32, #tpu.memory_space<hbm>> -> memref<128x128xf32, #tpu.memory_space<hbm>>
    tpu.wait_dma2 semaphore(%arg19 : memref<!tpu.dma_semaphore, #tpu.memory_space<semaphore_mem>>) src(%arg7 : memref<128x128xf32, #tpu.memory_space<vmem>>) dst(%dma_wait3A_109 : memref<128x128xf32, #tpu.memory_space<hbm>>)
    %dma_start3A_110 = arith.constant 7 : i32
    %dma_start3A_111 = arith.constant 0 : i32
    %dma_start3A_112 = tpu.memref_slice %arg5[%dma_start3A_110, %dma_start3A_111] : memref<8x128xi32, #tpu.memory_space<vmem>> -> memref<1x128xi32, #tpu.memory_space<vmem>>
    %dma_start3A_113 = tpu.memref_squeeze %dma_start3A_112 : memref<1x128xi32, #tpu.memory_space<vmem>> -> memref<128xi32, #tpu.memory_space<vmem>>
    %dma_start3A_114 = arith.constant 0 : i32
    %dma_start3A_115 = arith.constant 0 : i32
    %dma_start3A_116 = tpu.memref_slice %arg2[%dma_start3A_114, %dma_start3A_115] : memref<9048x128xf32, #tpu.memory_space<hbm>> -> memref<9048x128xf32, #tpu.memory_space<hbm>>
    tpu.enqueue_indirect_dma source(%dma_start3A_116 : memref<9048x128xf32, #tpu.memory_space<hbm>>) target(%arg7 : memref<128x128xf32, #tpu.memory_space<vmem>>) offsets(%dma_start3A_113 : memref<128xi32, #tpu.memory_space<vmem>>) semaphore(%arg13 : memref<!tpu.dma_semaphore, #tpu.memory_space<semaphore_mem>>)
    %dma_wait3A_117 = arith.constant 4 : i32
    %dma_wait3A_118 = arith.constant 0 : i32
    %dma_wait3A_119 = tpu.memref_slice %arg5[%dma_wait3A_117, %dma_wait3A_118] : memref<8x128xi32, #tpu.memory_space<vmem>> -> memref<1x128xi32, #tpu.memory_space<vmem>>
    %dma_wait3A_120 = tpu.memref_squeeze %dma_wait3A_119 : memref<1x128xi32, #tpu.memory_space<vmem>> -> memref<128xi32, #tpu.memory_space<vmem>>
    %dma_wait3A_121 = arith.constant 0 : i32
    %dma_wait3A_122 = arith.constant 0 : i32
    %dma_wait3A_123 = tpu.memref_slice %arg2[%dma_wait3A_121, %dma_wait3A_122] : memref<9048x128xf32, #tpu.memory_space<hbm>> -> memref<9048x128xf32, #tpu.memory_space<hbm>>
    tpu.wait_indirect_dma semaphore(%arg16 : memref<!tpu.dma_semaphore, #tpu.memory_space<semaphore_mem>>) src(%dma_wait3A_123 : memref<9048x128xf32, #tpu.memory_space<hbm>>) dst(%arg10 : memref<128x128xf32, #tpu.memory_space<vmem>>)
    %add3A_124 = arith.constant 512 : i32
    %add3A_125 = arith.addi %mul3A_2, %add3A_124 : i32
    %dma_start3A_126 = arith.constant 0 : i32
    %dma_start3A_127 = tpu.memref_slice %arg4[%add3A_125, %dma_start3A_126] : memref<32768x128xf32, #tpu.memory_space<hbm>> -> memref<128x128xf32, #tpu.memory_space<hbm>>
    %dma_start3A_128 = arith.constant 0 : i32
    %dma_start3A_129 = tpu.memref_slice %arg4[%add3A_125, %dma_start3A_128] : memref<32768x128xf32, #tpu.memory_space<hbm>> -> memref<128x128xf32, #tpu.memory_space<hbm>>
    tpu.enqueue_dma source(%arg10 : memref<128x128xf32, #tpu.memory_space<vmem>>) target(%dma_start3A_129 : memref<128x128xf32, #tpu.memory_space<hbm>>) target_semaphore(%arg22 : memref<!tpu.dma_semaphore, #tpu.memory_space<semaphore_mem>>)
    %dma_wait3A_130 = arith.constant 5 : i32
    %dma_wait3A_131 = arith.constant 0 : i32
    %dma_wait3A_132 = tpu.memref_slice %arg5[%dma_wait3A_130, %dma_wait3A_131] : memref<8x128xi32, #tpu.memory_space<vmem>> -> memref<1x128xi32, #tpu.memory_space<vmem>>
    %dma_wait3A_133 = tpu.memref_squeeze %dma_wait3A_132 : memref<1x128xi32, #tpu.memory_space<vmem>> -> memref<128xi32, #tpu.memory_space<vmem>>
    %dma_wait3A_134 = arith.constant 0 : i32
    %dma_wait3A_135 = arith.constant 0 : i32
    %dma_wait3A_136 = tpu.memref_slice %arg2[%dma_wait3A_134, %dma_wait3A_135] : memref<9048x128xf32, #tpu.memory_space<hbm>> -> memref<9048x128xf32, #tpu.memory_space<hbm>>
    tpu.wait_indirect_dma semaphore(%arg17 : memref<!tpu.dma_semaphore, #tpu.memory_space<semaphore_mem>>) src(%dma_wait3A_136 : memref<9048x128xf32, #tpu.memory_space<hbm>>) dst(%arg11 : memref<128x128xf32, #tpu.memory_space<vmem>>)
    %add3A_137 = arith.constant 640 : i32
    %add3A_138 = arith.addi %mul3A_2, %add3A_137 : i32
    %dma_start3A_139 = arith.constant 0 : i32
    %dma_start3A_140 = tpu.memref_slice %arg4[%add3A_138, %dma_start3A_139] : memref<32768x128xf32, #tpu.memory_space<hbm>> -> memref<128x128xf32, #tpu.memory_space<hbm>>
    %dma_start3A_141 = arith.constant 0 : i32
    %dma_start3A_142 = tpu.memref_slice %arg4[%add3A_138, %dma_start3A_141] : memref<32768x128xf32, #tpu.memory_space<hbm>> -> memref<128x128xf32, #tpu.memory_space<hbm>>
    tpu.enqueue_dma source(%arg11 : memref<128x128xf32, #tpu.memory_space<vmem>>) target(%dma_start3A_142 : memref<128x128xf32, #tpu.memory_space<hbm>>) target_semaphore(%arg23 : memref<!tpu.dma_semaphore, #tpu.memory_space<semaphore_mem>>)
    %dma_wait3A_143 = arith.constant 6 : i32
    %dma_wait3A_144 = arith.constant 0 : i32
    %dma_wait3A_145 = tpu.memref_slice %arg5[%dma_wait3A_143, %dma_wait3A_144] : memref<8x128xi32, #tpu.memory_space<vmem>> -> memref<1x128xi32, #tpu.memory_space<vmem>>
    %dma_wait3A_146 = tpu.memref_squeeze %dma_wait3A_145 : memref<1x128xi32, #tpu.memory_space<vmem>> -> memref<128xi32, #tpu.memory_space<vmem>>
    %dma_wait3A_147 = arith.constant 0 : i32
    %dma_wait3A_148 = arith.constant 0 : i32
    %dma_wait3A_149 = tpu.memref_slice %arg2[%dma_wait3A_147, %dma_wait3A_148] : memref<9048x128xf32, #tpu.memory_space<hbm>> -> memref<9048x128xf32, #tpu.memory_space<hbm>>
    tpu.wait_indirect_dma semaphore(%arg12 : memref<!tpu.dma_semaphore, #tpu.memory_space<semaphore_mem>>) src(%dma_wait3A_149 : memref<9048x128xf32, #tpu.memory_space<hbm>>) dst(%arg6 : memref<128x128xf32, #tpu.memory_space<vmem>>)
    %add3A_150 = arith.constant 768 : i32
    %add3A_151 = arith.addi %mul3A_2, %add3A_150 : i32
    %dma_start3A_152 = arith.constant 0 : i32
    %dma_start3A_153 = tpu.memref_slice %arg4[%add3A_151, %dma_start3A_152] : memref<32768x128xf32, #tpu.memory_space<hbm>> -> memref<128x128xf32, #tpu.memory_space<hbm>>
    %dma_start3A_154 = arith.constant 0 : i32
    %dma_start3A_155 = tpu.memref_slice %arg4[%add3A_151, %dma_start3A_154] : memref<32768x128xf32, #tpu.memory_space<hbm>> -> memref<128x128xf32, #tpu.memory_space<hbm>>
    tpu.enqueue_dma source(%arg6 : memref<128x128xf32, #tpu.memory_space<vmem>>) target(%dma_start3A_155 : memref<128x128xf32, #tpu.memory_space<hbm>>) target_semaphore(%arg18 : memref<!tpu.dma_semaphore, #tpu.memory_space<semaphore_mem>>)
    %dma_wait3A_156 = arith.constant 7 : i32
    %dma_wait3A_157 = arith.constant 0 : i32
    %dma_wait3A_158 = tpu.memref_slice %arg5[%dma_wait3A_156, %dma_wait3A_157] : memref<8x128xi32, #tpu.memory_space<vmem>> -> memref<1x128xi32, #tpu.memory_space<vmem>>
    %dma_wait3A_159 = tpu.memref_squeeze %dma_wait3A_158 : memref<1x128xi32, #tpu.memory_space<vmem>> -> memref<128xi32, #tpu.memory_space<vmem>>
    %dma_wait3A_160 = arith.constant 0 : i32
    %dma_wait3A_161 = arith.constant 0 : i32
    %dma_wait3A_162 = tpu.memref_slice %arg2[%dma_wait3A_160, %dma_wait3A_161] : memref<9048x128xf32, #tpu.memory_space<hbm>> -> memref<9048x128xf32, #tpu.memory_space<hbm>>
    tpu.wait_indirect_dma semaphore(%arg13 : memref<!tpu.dma_semaphore, #tpu.memory_space<semaphore_mem>>) src(%dma_wait3A_162 : memref<9048x128xf32, #tpu.memory_space<hbm>>) dst(%arg7 : memref<128x128xf32, #tpu.memory_space<vmem>>)
    %add3A_163 = arith.constant 896 : i32
    %add3A_164 = arith.addi %mul3A_2, %add3A_163 : i32
    %dma_start3A_165 = arith.constant 0 : i32
    %dma_start3A_166 = tpu.memref_slice %arg4[%add3A_164, %dma_start3A_165] : memref<32768x128xf32, #tpu.memory_space<hbm>> -> memref<128x128xf32, #tpu.memory_space<hbm>>
    %dma_start3A_167 = arith.constant 0 : i32
    %dma_start3A_168 = tpu.memref_slice %arg4[%add3A_164, %dma_start3A_167] : memref<32768x128xf32, #tpu.memory_space<hbm>> -> memref<128x128xf32, #tpu.memory_space<hbm>>
    tpu.enqueue_dma source(%arg7 : memref<128x128xf32, #tpu.memory_space<vmem>>) target(%dma_start3A_168 : memref<128x128xf32, #tpu.memory_space<hbm>>) target_semaphore(%arg19 : memref<!tpu.dma_semaphore, #tpu.memory_space<semaphore_mem>>)
    %dma_wait3A_169 = arith.constant 0 : i32
    %dma_wait3A_170 = tpu.memref_slice %arg4[%add3A_77, %dma_wait3A_169] : memref<32768x128xf32, #tpu.memory_space<hbm>> -> memref<128x128xf32, #tpu.memory_space<hbm>>
    %dma_wait3A_171 = arith.constant 0 : i32
    %dma_wait3A_172 = tpu.memref_slice %arg4[%add3A_77, %dma_wait3A_171] : memref<32768x128xf32, #tpu.memory_space<hbm>> -> memref<128x128xf32, #tpu.memory_space<hbm>>
    tpu.wait_dma2 semaphore(%arg20 : memref<!tpu.dma_semaphore, #tpu.memory_space<semaphore_mem>>) src(%arg8 : memref<128x128xf32, #tpu.memory_space<vmem>>) dst(%dma_wait3A_172 : memref<128x128xf32, #tpu.memory_space<hbm>>)
    %dma_wait3A_173 = arith.constant 0 : i32
    %dma_wait3A_174 = tpu.memref_slice %arg4[%add3A_101, %dma_wait3A_173] : memref<32768x128xf32, #tpu.memory_space<hbm>> -> memref<128x128xf32, #tpu.memory_space<hbm>>
    %dma_wait3A_175 = arith.constant 0 : i32
    %dma_wait3A_176 = tpu.memref_slice %arg4[%add3A_101, %dma_wait3A_175] : memref<32768x128xf32, #tpu.memory_space<hbm>> -> memref<128x128xf32, #tpu.memory_space<hbm>>
    tpu.wait_dma2 semaphore(%arg21 : memref<!tpu.dma_semaphore, #tpu.memory_space<semaphore_mem>>) src(%arg9 : memref<128x128xf32, #tpu.memory_space<vmem>>) dst(%dma_wait3A_176 : memref<128x128xf32, #tpu.memory_space<hbm>>)
    %dma_wait3A_177 = arith.constant 0 : i32
    %dma_wait3A_178 = tpu.memref_slice %arg4[%add3A_125, %dma_wait3A_177] : memref<32768x128xf32, #tpu.memory_space<hbm>> -> memref<128x128xf32, #tpu.memory_space<hbm>>
    %dma_wait3A_179 = arith.constant 0 : i32
    %dma_wait3A_180 = tpu.memref_slice %arg4[%add3A_125, %dma_wait3A_179] : memref<32768x128xf32, #tpu.memory_space<hbm>> -> memref<128x128xf32, #tpu.memory_space<hbm>>
    tpu.wait_dma2 semaphore(%arg22 : memref<!tpu.dma_semaphore, #tpu.memory_space<semaphore_mem>>) src(%arg10 : memref<128x128xf32, #tpu.memory_space<vmem>>) dst(%dma_wait3A_180 : memref<128x128xf32, #tpu.memory_space<hbm>>)
    %dma_wait3A_181 = arith.constant 0 : i32
    %dma_wait3A_182 = tpu.memref_slice %arg4[%add3A_138, %dma_wait3A_181] : memref<32768x128xf32, #tpu.memory_space<hbm>> -> memref<128x128xf32, #tpu.memory_space<hbm>>
    %dma_wait3A_183 = arith.constant 0 : i32
    %dma_wait3A_184 = tpu.memref_slice %arg4[%add3A_138, %dma_wait3A_183] : memref<32768x128xf32, #tpu.memory_space<hbm>> -> memref<128x128xf32, #tpu.memory_space<hbm>>
    tpu.wait_dma2 semaphore(%arg23 : memref<!tpu.dma_semaphore, #tpu.memory_space<semaphore_mem>>) src(%arg11 : memref<128x128xf32, #tpu.memory_space<vmem>>) dst(%dma_wait3A_184 : memref<128x128xf32, #tpu.memory_space<hbm>>)
    %dma_wait3A_185 = arith.constant 0 : i32
    %dma_wait3A_186 = tpu.memref_slice %arg4[%add3A_151, %dma_wait3A_185] : memref<32768x128xf32, #tpu.memory_space<hbm>> -> memref<128x128xf32, #tpu.memory_space<hbm>>
    %dma_wait3A_187 = arith.constant 0 : i32
    %dma_wait3A_188 = tpu.memref_slice %arg4[%add3A_151, %dma_wait3A_187] : memref<32768x128xf32, #tpu.memory_space<hbm>> -> memref<128x128xf32, #tpu.memory_space<hbm>>
    tpu.wait_dma2 semaphore(%arg18 : memref<!tpu.dma_semaphore, #tpu.memory_space<semaphore_mem>>) src(%arg6 : memref<128x128xf32, #tpu.memory_space<vmem>>) dst(%dma_wait3A_188 : memref<128x128xf32, #tpu.memory_space<hbm>>)
    %dma_wait3A_189 = arith.constant 0 : i32
    %dma_wait3A_190 = tpu.memref_slice %arg4[%add3A_164, %dma_wait3A_189] : memref<32768x128xf32, #tpu.memory_space<hbm>> -> memref<128x128xf32, #tpu.memory_space<hbm>>
    %dma_wait3A_191 = arith.constant 0 : i32
    %dma_wait3A_192 = tpu.memref_slice %arg4[%add3A_164, %dma_wait3A_191] : memref<32768x128xf32, #tpu.memory_space<hbm>> -> memref<128x128xf32, #tpu.memory_space<hbm>>
    tpu.wait_dma2 semaphore(%arg19 : memref<!tpu.dma_semaphore, #tpu.memory_space<semaphore_mem>>) src(%arg7 : memref<128x128xf32, #tpu.memory_space<vmem>>) dst(%dma_wait3A_192 : memref<128x128xf32, #tpu.memory_space<hbm>>)
    return
  }
}

module attributes {stable_mosaic.version = 14 : i64} {
  func.func @body(%arg0: i32, %arg1: memref<4096x128xf32, #tpu.memory_space<vmem>>, %arg2: memref<128x1024xf32, #tpu.memory_space<vmem>>, %arg3: memref<1x1024xf32, #tpu.memory_space<vmem>>, %arg4: memref<4096x1024xf32, #tpu.memory_space<vmem>>) attributes {dimension_semantics = [#tpu.dimension_semantics<arbitrary>], iteration_bounds = array<i64: 8>, scalar_prefetch = 0 : i64, scratch_operands = 0 : i64, tpu.core_type = #tpu.core_type<tc>, window_params = [{transform_indices = @transform_0, window_bounds = array<i64: 4096, 128>}, {pipeline_mode = #tpu.pipeline_mode<synchronous>, transform_indices = @transform_1, window_bounds = array<i64: 128, 1024>}, {pipeline_mode = #tpu.pipeline_mode<synchronous>, transform_indices = @transform_2, window_bounds = array<i64: 1, 1024>}, {transform_indices = @transform_3, window_bounds = array<i64: 4096, 1024>}]} {
    %get3A = arith.constant 0 : index
    %get3A_0 = arith.constant 0 : index
    %get3A_1 = vector.load %arg1[%get3A, %get3A_0] : memref<4096x128xf32, #tpu.memory_space<vmem>>, vector<4096x128xf32>
    %get3A_2 = arith.constant 0 : index
    %get3A_3 = arith.constant 0 : index
    %get3A_4 = vector.load %arg2[%get3A_2, %get3A_3] : memref<128x1024xf32, #tpu.memory_space<vmem>>, vector<128x1024xf32>
    %dot_general3A = arith.constant dense<0.000000e+00> : vector<4096x1024xf32>
    %dot_general3A_5 = tpu.matmul %get3A_1, %get3A_4, %dot_general3A {dimension_numbers = #tpu.dot_dimension_numbers<[1], [0], [0], [1], [0, 0, 1, 1], [], []>, transpose_lhs_hint = false} : vector<4096x128xf32>, vector<128x1024xf32>, vector<4096x1024xf32> -> vector<4096x1024xf32>
    %get3A_6 = arith.constant 0 : index
    %get3A_7 = arith.constant 0 : index
    %get3A_8 = vector.load %arg3[%get3A_6, %get3A_7] : memref<1x1024xf32, #tpu.memory_space<vmem>>, vector<1x1024xf32>
    %add3A = vector.broadcast %get3A_8 : vector<1x1024xf32> to vector<4096x1024xf32>
    %add3A_9 = arith.addf %dot_general3A_5, %add3A : vector<4096x1024xf32>
    %swap3A = arith.constant 0 : index
    %swap3A_10 = arith.constant 0 : index
    %swap3A_11 = vector.load %arg4[%swap3A, %swap3A_10] : memref<4096x1024xf32, #tpu.memory_space<vmem>>, vector<4096x1024xf32>
    tpu.vector_store %arg4[%swap3A, %swap3A_10], %add3A_9 {strides = array<i32>} : memref<4096x1024xf32, #tpu.memory_space<vmem>>, vector<4096x1024xf32>,
    return
  }
  func.func @transform_0(%arg0: i32) -> (i32, i32) {
    %c0_i32 = arith.constant 0 : i32
    %c0_i32_0 = arith.constant 0 : i32
    return %arg0, %c0_i32 : i32, i32
  }
  func.func @transform_1(%arg0: i32) -> (i32, i32) {
    %c0_i32 = arith.constant 0 : i32
    %c0_i32_0 = arith.constant 0 : i32
    %c0_i32_1 = arith.constant 0 : i32
    return %c0_i32, %c0_i32_0 : i32, i32
  }
  func.func @transform_2(%arg0: i32) -> (i32, i32) {
    %c0_i32 = arith.constant 0 : i32
    %c0_i32_0 = arith.constant 0 : i32
    %c0_i32_1 = arith.constant 0 : i32
    return %c0_i32, %c0_i32_0 : i32, i32
  }
  func.func @transform_3(%arg0: i32) -> (i32, i32) {
    %c0_i32 = arith.constant 0 : i32
    %c0_i32_0 = arith.constant 0 : i32
    return %arg0, %c0_i32 : i32, i32
  }
}

</mosaic_0001>

<sc_bundles>
// kernel: kernel.4.cloned.1.call-start
scs
__scs_entry_jumppad:
0x0: {  	(pc) =	sbr.rel $0x88, $3  }
0x1: {  	(tag) =	ssettag $0x0;
	lr =	simm.s32 $0x1  }
0x2: {  	[smem:$0x3F9D] =	sst lr;
	_ =	strace $0xD0000000  }
0x3: {  	_ = 	snop  }
0x4: {  	_ = 	snop  }
0x5: {  	_ = 	snop  }
0x6: {  	_ = 	snop  }
0x7: {  	_ = 	snop  }
__scs_overlays_trampoline_lowered:
0x8: {  	[smem:$0x3FAC] =	sst s0  }
0x9: {  	[smem:$0x3FAD] =	sst s1  }
0xa: {  	[smem:$0x3FAE] =	sst s2  }
0xb: {  	[smem:$0x3FAF] =	sst s3  }
0xc: {  	[smem:$0x3FB0] =	sst s4  }
0xd: {  	[smem:$0x3FB1] =	sst s5  }
0xe: {  	[smem:$0x3FB2] =	sst s6  }
0xf: {  	[smem:$0x3FB3] =	sst s7  }
0x10: {  	[smem:$0x3FB4] =	sst s8  }
0x11: {  	[smem:$0x3FB5] =	sst s9;
	s0 =	simm.s32 @!p0 $0x0  }
0x12: {  	s1 =	sld [smem:$0x3F9B];
	s0 =	simm.s32 @p0 $0x1  }
0x13: {  	[smem:$0x3FB6] =	sst s0;
	s0 =	simm.s32 @!p1 $0x0  }
0x14: {  	s2 =	sld [smem:$0x3F9A];
	s0 =	simm.s32 @p1 $0x1  }
0x15: {  	[smem:$0x3FB7] =	sst s0;
	s0 =	simm.s32 @!p2 $0x0  }
0x16: {  	s3 =	sld [smem:$0x3FDB];
	s0 =	simm.s32 @p2 $0x1  }
0x17: {  	s4 =	simm.s32 $0x1BF5;
	[smem:$0x3FB9] =	sst s0  }
0x18: {  	s0 =	sld [smem:$0x3F9C];
	_ =	swait.ge [sflag:s4], $0x0  }
0x19: {  	s7 =	sld [smem:$0x3F9D]  }
0x1a: {  	s8 =	sadd.s32 $0xFFFFE003, lr  }
0x1b: {  	s9 =	sadd.s32 $0xFFFFFEF7, lr;
	s5 =	simm.s32 $0xFFFFFFFF;
	p2 =	slt.u32 s8, $0xFFFFF086  }
0x1c: {  	p1 =	slt.u32 s9, $0xF7A;
	s5 =	simm.s32 @!p2 $0x0  }
0x1d: {  	s5 =	simm.s32 @p1 $0x1;
	p0 =	seq.s32 s7, s2  }
0x1e: {  	s7 =	smul.u32 @!p0 $0xF7A, s2;
	p2 =	seq.s32 @!p0 s5, $0x0  }
0x1f: {  	s9 =	smul.u32 $0xF7A, s1;
	s8 =	simm.s32 @!p0 $0x1BF5;
	p2 =	por !p2, p0  }
0x20: {  	[sflag:s8] =	ssyncset.s32 @!p0 $0xFFFFF086;
	s6 =	sadd.s32 @!p0 s3, s7;
	s7 =	simm.s32 @!p0 $0x108  }
0x21: {  	s3 =	sadd.s32 s3, s9;
	s6 =	sadd.s32 @!p0 $0x88, s6;
	s7 =	simm.s32 @p2 $0x1082  }
0x22: {  	[simem:s7], [sflag:s8] =	dma.local @!p0 [hbm:s6], $0xF7A  }
0x23: {  	s9 =	sor.u32 $0xD0000000, s2;
	s6 =	simm.s32 $0x108;
	_ =	swait.ge @!p0 [sflag:s8], $0x0  }
0x24: {  	s3 =	sadd.s32 $0x88, s3;
	s6 =	simm.s32 @!p1 $0x1082;
	[sflag:s4] =	ssyncset.s32 $0xFFFFF086  }
0x25: {  	[simem:s6], [sflag:s4] =	dma.local [hbm:s3], $0xF7A  }
0x26: {  	[smem:$0x3F9D] =	sst s1;
	(tag) =	ssettag s2;
	_ =	strace s9  }
0x27: {  	s1 =	sld [smem:$0x3FAD]  }
0x28: {  	s2 =	sld [smem:$0x3FAE]  }
0x29: {  	s4 =	sld [smem:$0x3FB0]  }
0x2a: {  	p0 =	seq.s32 s5, $0x0;
	s5 =	sld [smem:$0x3FB1]  }
0x2b: {  	s6 =	sld [smem:$0x3FB2]  }
0x2c: {  	s7 =	sld [smem:$0x3FB3]  }
0x2d: {  	s3 =	simm.s32 $0x108;
	s8 =	sld [smem:$0x3FB4]  }
0x2e: {  	s3 =	simm.s32 @!p0 $0x1082;
	s9 =	sld [smem:$0x3FB5]  }
0x2f: {  	lr =	sadd.s32 s0, s3;
	s0 =	sld [smem:$0x3FAC]  }
0x30: {  	s3 =	sld [smem:$0x3FAF]  }
0x31: {  	[smem:$0x3FB8] =	sst s10  }
0x32: {  	s10 =	sld [smem:$0x3FB6];
	_ =	sdelay $0x3  }
0x33: {  	p0 =	seq.s32 s10, $0x1;
	s10 =	sld [smem:$0x3FB8];
	_ =	sdelay $0x3  }
0x34: {  	[smem:$0x3FB8] =	sst s10  }
0x35: {  	s10 =	sld [smem:$0x3FB7];
	_ =	sdelay $0x3  }
0x36: {  	p1 =	seq.s32 s10, $0x1;
	s10 =	sld [smem:$0x3FB8];
	_ =	sdelay $0x3  }
0x37: {  	[smem:$0x3FB8] =	sst s10  }
0x38: {  	s10 =	sld [smem:$0x3FB9]  }
0x39: {  	_ = 	snop;
	(pc) =	sbr.ind lr, $3  }
0x3a: {  	_ = 	snop  }
0x3b: {  	_ = 	snop  }
0x3c: {  	p2 =	seq.s32 s10, $0x1;
	s10 =	sld [smem:$0x3FB8]  }
0x3d: {  	_ =	shalt  }
0x3e: {  	_ =	shalt  }
0x3f: {  	_ =	shalt  }
0x40: {  	_ =	shalt  }
0x41: {  	_ =	shalt  }
0x42: {  	_ =	shalt  }
0x43: {  	_ =	shalt  }
0x44: {  	_ =	shalt  }
0x45: {  	_ =	shalt  }
0x46: {  	_ =	shalt  }
0x47: {  	_ =	shalt  }
0x48: {  	_ =	shalt  }
0x49: {  	_ =	shalt  }
0x4a: {  	_ =	shalt  }
0x4b: {  	_ =	shalt  }
0x4c: {  	_ =	shalt  }
0x4d: {  	_ =	shalt  }
0x4e: {  	_ =	shalt  }
0x4f: {  	_ =	shalt  }
0x50: {  	_ =	shalt  }
0x51: {  	_ =	shalt  }
0x52: {  	_ =	shalt  }
0x53: {  	_ =	shalt  }
0x54: {  	_ =	shalt  }
0x55: {  	_ =	shalt  }
0x56: {  	_ =	shalt  }
0x57: {  	_ =	shalt  }
0x58: {  	_ =	shalt  }
0x59: {  	_ =	shalt  }
0x5a: {  	_ =	shalt  }
0x5b: {  	_ =	shalt  }
0x5c: {  	_ =	shalt  }
0x5d: {  	_ =	shalt  }
0x5e: {  	_ =	shalt  }
0x5f: {  	_ =	shalt  }
0x60: {  	_ =	shalt  }
0x61: {  	_ =	shalt  }
0x62: {  	_ =	shalt  }
0x63: {  	_ =	shalt  }
0x64: {  	_ =	shalt  }
0x65: {  	_ =	shalt  }
0x66: {  	_ =	shalt  }
0x67: {  	_ =	shalt  }
0x68: {  	_ =	shalt  }
0x69: {  	_ =	shalt  }
0x6a: {  	_ =	shalt  }
0x6b: {  	_ =	shalt  }
0x6c: {  	_ =	shalt  }
0x6d: {  	_ =	shalt  }
0x6e: {  	_ =	shalt  }
0x6f: {  	_ =	shalt  }
0x70: {  	_ =	shalt  }
0x71: {  	_ =	shalt  }
0x72: {  	_ =	shalt  }
0x73: {  	_ =	shalt  }
0x74: {  	_ =	shalt  }
0x75: {  	_ =	shalt  }
0x76: {  	_ =	shalt  }
0x77: {  	_ =	shalt  }
0x78: {  	_ =	shalt  }
0x79: {  	_ =	shalt  }
0x7a: {  	_ =	shalt  }
0x7b: {  	_ =	shalt  }
0x7c: {  	_ =	shalt  }
0x7d: {  	_ =	shalt  }
0x7e: {  	_ =	shalt  }
0x7f: {  	_ =	shalt  }
0x80: {  	_ =	shalt  }
0x81: {  	_ =	shalt  }
0x82: {  	_ =	shalt  }
0x83: {  	_ =	shalt  }
0x84: {  	_ =	shalt  }
0x85: {  	_ =	shalt  }
0x86: {  	_ =	shalt  }
0x87: {  	_ =	shalt  }
.Lfunc_end0:
.L_simem_size_0:
called_computation_lowered:
.L_overlay_start_0:
0x88: {  	s2 =	sld [smem:$0x3FD9]  }
0x89: {  	s3 =	sld [smem:$0x3FFE];
	_ =	sdelay $0x1  }
0x8a: {  	s1 =	srdreg.scid  }
0x8b: {  	s0 =	sand.u32 $0x1, s1  }
0x8c: {  	s17 =	sshll.u32 s0, $0xA;
	s2 =	sadd.s32 s3, s2  }
0x8d: {  	s2 =	sadd.s32 s2, s17  }
0x8e: {  	[smem:$0x3FC4] =	sst s2  }
0x8f: {  	_ = 	snop  }
0x90: {  	s2 =	sld [smem:$0x3FD0];
	(tm) =	ssettm $0x1  }
0x91: {  	s18 =	sld [smem:$0x3FFB];
	_ =	sdelay $0x3  }
0x92: {  	_ =	strace s18  }
0x93: {  	s3 =	sld [smem:$0x3FFC];
	_ =	sdelay $0x3  }
0x94: {  	_ =	strace s3  }
0x95: {  	s3 =	sld [smem:$0x3FFD];
	_ =	sdelay $0x3  }
0x96: {  	_ =	strace s3  }
0x97: {  	_ =	strace $0x8FFFFFFF  }
0x98: {  	s19 =	sld [smem:$0x3FDB];
	_ =	sdelay $0x1  }
0x99: {  	s4 =	simm.s32 $_scs_section_size  }
0x9a: {  	s5 =	simm.s32 $_size__tile_overlayer_lowered;
	s6 =	simm.s32 $_tile_overlayer_lowered  }
0x9b: {  	s22 =	simm.s32 $0x1BFF;
	s21 =	sshll.u32 s6, $0x1;
	s3 =	sadd.s32 s4, s19  }
0x9c: {  	s7 =	simm.s32 $0x0;
	s20 =	sshll.u32 s5, $0x1;
	s5 =	sadd.s32 s21, s3  }
0x9d: {  	[timem:s7], [sflag:s22] =	dma.local [hbm:s5], s20  }
0x9e: {  	_ =	swait.ge [sflag:s22], s20  }
0x9f: {  	s4 =	ssub.s32 $0x0, s20;
	[sflag:s22] =	ssyncset.done $0x0  }
0xa0: {  	[sflag:s22] =	ssyncadd.s32 s4;
	_ =	sdelay $0x1  }
0xa1: {  	s23 =	simm.s32 $0x1B8B  }
0xa2: {  	_ =	swait.ge [sflag:s23], $0x1  }
0xa3: {  	[sflag:s23] =	ssyncset.done $0x0  }
0xa4: {  	s25 =	simm.s32 $0x1B8E;
	s24 =	sld [smem:$0x3FFE];
	[sflag:s23] =	ssyncadd.s32 $0xFFFFFFFF  }
0xa5: {  	s26 =	simm.s32 $execute0_lowered;
	[smem:$0x3FD2] =	sst s25  }
0xa6: {  	s5 =	sshll.u32 s26, $0x1;
	_ =	strace $0x80000046;
	[dreg:$0x1] =	wrdreg $0xFFFFFFFF  }
0xa7: {  	s28 =	simm.s32 $_size_execute0_lowered;
	s3 =	sadd.s32 s3, s5;
	[dreg:$0x0] =	wrdreg $0x0  }
0xa8: {  	s5 =	sshll.u32 s28, $0x1;
	[dreg:$0x2] =	wrdreg s3  }
0xa9: {  	[dreg:$0x3] =	wrdreg s5  }
0xaa: {  	[dreg:$0x4] =	wrdreg $0xC0  }
0xab: {  	_ =	task [dreg:s7], $0x5FFFF  }
0xac: {  	[dreg:$0x1] =	wrdreg $0xFFFFFFFF  }
0xad: {  	[dreg:$0x0] =	wrdreg $0x60  }
0xae: {  	[dreg:$0x2] =	wrdreg s24  }
0xaf: {  	[dreg:$0x3] =	wrdreg s2  }
0xb0: {  	[dreg:$0x4] =	wrdreg $0x9  }
0xb1: {  	_ =	task.clear_ibuf [dreg:s7], $0x5FFFF;
	_ =	strace $0x90000046  }
0xb2: {  	s29 =	simm.s32 $0x9;
	_ =	strace $0x80000048  }
0xb3: {  	_ =	swait.ge [sflag:s29], $0x1  }
0xb4: {  	[sflag:s29] =	ssyncadd.s32 $0xFFFFFFFF  }
0xb5: {  	_ =	strace $0x90000048  }
0xb6: {  	_ =	sfence  }
0xb7: {  	s30 =	sld [smem:$0x0];
	_ =	sdelay $0x2  }
0xb8: {  	s31 =	sshll.u32 s1, $0xD;
	s1 =	sshrl.u32 s1, $0x2  }
0xb9: {  	s3 =	sand.u32 $0x4000, s31;
	s1 =	sadd.s32 s1, s30  }
0xba: {  	s0 =	sor.u32 s3, s0;
	s1 =	sshll.u32 s1, $0x11  }
0xbb: {  	s0 =	sor.u32 s1, s0  }
0xbc: {  	s0 =	sadd.s32 $0x8F2B, s0  }
0xbd: {  	[sflag:s0] =	ssyncadd.remote.s32 $0x1  }
0xbe: {  	_ =	sfence.sel $0xFFFF  }
0xbf: {  	[dreg:$0x0] =	wrdreg $0xFFFFFFFF;
	(pc) =	sbr.abs _section_cstart, $3  }
0xc0: {  	[dreg:$0x1] =	wrdreg $0xFFFFFFFF  }
0xc1: {  	_ =	task.clear_ibuf [dreg:s7], $0x2FFFF;
	_ =	strace $0x9FFFFFFF  }
0xc2: {  	(tm) =	ssettm $0x7FFFFFFF  }
0xc3: {  	_ =	shalt  }
tec
execute0_lowered:
.L_overlay_start_1:
0x0: {  	(tag) =	ssettag $0x1  }
0x1: {  	s0 =	srdreg.scid;
	s1 =	rddreg [dreg:$0x0]  }
0x2: {  	s2 =	stileid.u32;
	s4 =	rddreg [dreg:$0x1]  }
0x3: {  	s28 =	simm.s32 $0xD;
	s13 =	simm.s32 $0x80;
	s6 =	simm.s32 $0x400  }
0x4: {  	s30 =	simm.s32 $0x100;
	s31 =	simm.s32 $0x180;
	s18 =	simm.s32 $0xC400  }
0x5: {  	s8 =	simm.s32 $0x1;
	s29 =	simm.s32 $0x200;
	s17 =	simm.s32 $0x10400  }
0x6: {  	s7 =	simm.s32 $0x2;
	s15 =	simm.s32 $0x14400;
	p0 =	por $0x0, $0x0  }
0x7: {  	s19 =	simm.s32 $0x6;
	s14 =	simm.s32 $0x9;
	s0 =	sand.u32 $0x1, s0  }
0x8: {  	s12 =	simm.s32 $0xA;
	s2 =	sshll.u32 s2, $0xB;
	s3 =	sshll.u32 s0, $0xA  }
0x9: {  	s11 =	simm.s32 $0xB;
	s9 =	simm.s32 $0xC;
	s3 =	sor.u32 s3, s2  }
0xa: {  	s10 =	sadd.s32 $0x1A00, s1;
	s0 =	ssub.s32 $0x2, s0;
	s5 =	sshrl.u32 s3, $0x3  }
0xb: {  	s2 =	simm.s32 $0x0;
	s3 =	sshll.u32 s3, $0x4;
	s5 =	sadd.s32 s5, s1  }
0xc: {  	[smem:$0x7FF] =	sst s2;
	s16 =	sadd.s32 s4, s3;
	s5 =	sadd.s32 $0xA00, s5  }
0xd: {  	_ =	strace $0x80000047;
	s3 =	sadd.s32 $0x800, s16;
	[dreg:$0x3] =	wrdreg s5  }
0xe: {  	s24 =	sshrl.u32 s0, $0x1;
	s20 =	sadd.s32 $0x1000, s16;
	[dreg:$0x4] =	wrdreg s3  }
0xf: {  	s0 =	ssub.s32 s0, s24;
	s21 =	sadd.s32 $0x1800, s16;
	[dreg:$0x5] =	wrdreg s20  }
0x10: {  	s24 =	simm.s32 $0x300;
	s22 =	sadd.s32 $0x2000, s16;
	[dreg:$0x6] =	wrdreg s21  }
0x11: {  	s0 =	smax.u32 s0, $0x1;
	s23 =	sadd.s32 $0x2800, s16;
	[dreg:$0x7] =	wrdreg s22  }
0x12: {  	s25 =	sadd.s32 $0x3000, s16;
	p1 =	sne.s32 s0, $0x1;
	[dreg:$0x8] =	wrdreg s23  }
.Ltmp0:
0x13: {  	s26 =	sadd.s32 $0x3800, s16;
	[dreg:$0x9] =	wrdreg s25;
	(pc) =	sbr.rel @!p1 .LBB2_3-.Ltmp0, $4  }
0x14: {  	s4 =	simm.s32 $0x8;
	s1 =	sadd.s32 $0xFFFFFFFF, s0;
	[dreg:$0xa] =	wrdreg s26  }
0x15: {  	s5 =	simm.s32 $0x4400;
	s20 =	simm.s32 $0x8400;
	s26 =	simm.s32 $0x280  }
0x16: {  	s25 =	simm.s32 $0x3;
	s3 =	simm.s32 $0x7;
	s23 =	simm.s32 $0x4  }
0x17: {  	s21 =	simm.s32 $0x380;
	s22 =	simm.s32 $0x5;
	s0 =	rddreg [dreg:$0x3]  }
0x18: {  	[tilespmem:s2], [sflag:$0xD] =	stream.linear.gather [hbm4b:s0+s2], $0x400, $0x38;
	[tilespmem:$0x18400] =	vst v63  }
0x19: {  	_ =	swait.ge [sflag:s28], $0x400  }
0x1a: {  	[sflag:s28] =	ssyncset.done $0x0  }
0x1b: {  	[sflag:s28] =	ssyncadd.s32 $0xFFFFFC00  }
0x1c: {  	[tilespmem:s6], [sflag:$0x1] =	stream.indirect.gather [hbm4b:s10+s13], $0x80, s2, s13, $0xb8;
	[tilespmem:$0x18400] =	vst v63  }
0x1d: {  	_ = 	snop  }
0x1e: {  	[tilespmem:s5], [sflag:$0x2] =	stream.indirect.gather [hbm4b:s10+s13], $0x80, s13, s13, $0xb8;
	[tilespmem:$0x18400] =	vst v63  }
0x1f: {  	_ = 	snop  }
0x20: {  	[tilespmem:s20], [sflag:$0x3] =	stream.indirect.gather [hbm4b:s10+s13], $0x80, s30, s13, $0xb8;
	[tilespmem:$0x18400] =	vst v63  }
0x21: {  	_ = 	snop  }
0x22: {  	[tilespmem:s18], [sflag:$0x4] =	stream.indirect.gather [hbm4b:s10+s13], $0x80, s31, s13, $0xb8;
	[tilespmem:$0x18400] =	vst v63  }
0x23: {  	_ =	swait.ge [sflag:s8], $0x4000  }
0x24: {  	[sflag:s8] =	ssyncset.done $0x0  }
0x25: {  	[sflag:s8] =	ssyncadd.s32 $0xFFFFC000  }
0x26: {  	[hbm4b:s16+s2] =	stream.linear.scatter [tilespmem:s6], [sflag:$0x7], $0x4000, $0x38;
	[tilespmem:$0x18400] =	vst v63  }
0x27: {  	_ = 	snop  }
0x28: {  	[tilespmem:s17], [sflag:$0x5] =	stream.indirect.gather [hbm4b:s10+s13], $0x80, s29, s13, $0xb8;
	[tilespmem:$0x18400] =	vst v63  }
0x29: {  	_ =	swait.ge [sflag:s7], $0x4000  }
0x2a: {  	[sflag:s7] =	ssyncset.done $0x0  }
0x2b: {  	s0 =	rddreg [dreg:$0x4];
	[sflag:s7] =	ssyncadd.s32 $0xFFFFC000  }
0x2c: {  	[hbm4b:s0+s2] =	stream.linear.scatter [tilespmem:s5], [sflag:$0x8], $0x4000, $0x38;
	[tilespmem:$0x18400] =	vst v63  }
0x2d: {  	_ = 	snop  }
0x2e: {  	[tilespmem:s15], [sflag:$0x6] =	stream.indirect.gather [hbm4b:s10+s13], $0x80, s26, s13, $0xb8;
	[tilespmem:$0x18400] =	vst v63  }
0x2f: {  	_ =	swait.ge [sflag:s25], $0x4000  }
0x30: {  	[sflag:s25] =	ssyncset.done $0x0  }
0x31: {  	s0 =	rddreg [dreg:$0x5];
	[sflag:s25] =	ssyncadd.s32 $0xFFFFC000  }
0x32: {  	[hbm4b:s0+s2] =	stream.linear.scatter [tilespmem:s20], [sflag:$0x9], $0x4000, $0x38;
	[tilespmem:$0x18400] =	vst v63  }
0x33: {  	_ =	swait.ge [sflag:s3], $0x4000  }
0x34: {  	[sflag:s3] =	ssyncset.done $0x0  }
0x35: {  	[sflag:s3] =	ssyncadd.s32 $0xFFFFC000  }
0x36: {  	[tilespmem:s6], [sflag:$0x1] =	stream.indirect.gather [hbm4b:s10+s13], $0x80, s24, s13, $0xb8;
	[tilespmem:$0x18400] =	vst v63  }
0x37: {  	_ =	swait.ge [sflag:s23], $0x4000  }
0x38: {  	[sflag:s23] =	ssyncset.done $0x0  }
0x39: {  	s0 =	rddreg [dreg:$0x6];
	[sflag:s23] =	ssyncadd.s32 $0xFFFFC000  }
0x3a: {  	[hbm4b:s0+s2] =	stream.linear.scatter [tilespmem:s18], [sflag:$0xA], $0x4000, $0x38;
	[tilespmem:$0x18400] =	vst v63  }
0x3b: {  	_ =	swait.ge [sflag:s4], $0x4000  }
0x3c: {  	[sflag:s4] =	ssyncset.done $0x0  }
0x3d: {  	[sflag:s4] =	ssyncadd.s32 $0xFFFFC000  }
0x3e: {  	[tilespmem:s5], [sflag:$0x2] =	stream.indirect.gather [hbm4b:s10+s13], $0x80, s21, s13, $0xb8;
	[tilespmem:$0x18400] =	vst v63  }
0x3f: {  	_ =	swait.ge [sflag:s22], $0x4000  }
0x40: {  	[sflag:s22] =	ssyncset.done $0x0  }
0x41: {  	s0 =	rddreg [dreg:$0x7];
	[sflag:s22] =	ssyncadd.s32 $0xFFFFC000  }
0x42: {  	[hbm4b:s0+s2] =	stream.linear.scatter [tilespmem:s17], [sflag:$0xB], $0x4000, $0x38;
	[tilespmem:$0x18400] =	vst v63  }
0x43: {  	_ =	swait.ge [sflag:s19], $0x4000  }
0x44: {  	[sflag:s19] =	ssyncset.done $0x0  }
0x45: {  	s0 =	rddreg [dreg:$0x8];
	[sflag:s19] =	ssyncadd.s32 $0xFFFFC000  }
0x46: {  	[hbm4b:s0+s2] =	stream.linear.scatter [tilespmem:s15], [sflag:$0xC], $0x4000, $0x38;
	[tilespmem:$0x18400] =	vst v63  }
0x47: {  	_ =	swait.ge [sflag:s8], $0x4000  }
0x48: {  	[sflag:s8] =	ssyncset.done $0x0  }
0x49: {  	s0 =	rddreg [dreg:$0x9];
	[sflag:s8] =	ssyncadd.s32 $0xFFFFC000  }
0x4a: {  	[hbm4b:s0+s2] =	stream.linear.scatter [tilespmem:s6], [sflag:$0x7], $0x4000, $0x38;
	[tilespmem:$0x18400] =	vst v63  }
0x4b: {  	_ =	swait.ge [sflag:s7], $0x4000  }
0x4c: {  	[sflag:s7] =	ssyncset.done $0x0  }
0x4d: {  	s0 =	rddreg [dreg:$0xa];
	[sflag:s7] =	ssyncadd.s32 $0xFFFFC000  }
0x4e: {  	[hbm4b:s0+s2] =	stream.linear.scatter [tilespmem:s5], [sflag:$0x8], $0x4000, $0x38;
	[tilespmem:$0x18400] =	vst v63  }
0x4f: {  	_ =	swait.ge [sflag:s14], $0x4000  }
0x50: {  	[sflag:s14] =	ssyncset.done $0x0  }
0x51: {  	[sflag:s14] =	ssyncadd.s32 $0xFFFFC000  }
0x52: {  	_ =	swait.ge [sflag:s12], $0x4000  }
0x53: {  	[sflag:s12] =	ssyncset.done $0x0  }
0x54: {  	[sflag:s12] =	ssyncadd.s32 $0xFFFFC000  }
0x55: {  	_ =	swait.ge [sflag:s11], $0x4000  }
0x56: {  	[sflag:s11] =	ssyncset.done $0x0  }
0x57: {  	[sflag:s11] =	ssyncadd.s32 $0xFFFFC000  }
0x58: {  	_ =	swait.ge [sflag:s9], $0x4000  }
0x59: {  	[sflag:s9] =	ssyncset.done $0x0  }
0x5a: {  	p1 =	sne.s32 s1, $0x1;
	[sflag:s9] =	ssyncadd.s32 $0xFFFFC000  }
.Ltmp1:
0x5b: {  	_ =	swait.ge [sflag:s3], $0x4000;
	(pc) =	sbr.rel @!p1 .LBB2_3-.Ltmp1, $4  }
0x5c: {  	[sflag:s3] =	ssyncset.done $0x0  }
0x5d: {  	[sflag:s3] =	ssyncadd.s32 $0xFFFFC000  }
0x5e: {  	s1 =	sadd.s32 $0xFFFFFFFF, s1;
	_ =	swait.ge [sflag:s4], $0x4000  }
0x5f: {  	p0 =	por $0x1, $0x1;
	s0 =	rddreg [dreg:$0x3];
	[sflag:s4] =	ssyncset.done $0x0  }
.LBB2_2:
0x60: {  	[sflag:s4] =	ssyncadd.s32 $0xFFFFC000  }
0x61: {  	[tilespmem:s2], [sflag:$0xD] =	stream.linear.gather [hbm4b:s0+s2], $0x400, $0x38;
	[tilespmem:$0x18400] =	vst v63  }
0x62: {  	_ =	swait.ge [sflag:s28], $0x400  }
0x63: {  	[sflag:s28] =	ssyncset.done $0x0  }
0x64: {  	[sflag:s28] =	ssyncadd.s32 $0xFFFFFC00  }
0x65: {  	[tilespmem:s6], [sflag:$0x1] =	stream.indirect.gather [hbm4b:s10+s13], $0x80, s2, s13, $0xb8;
	[tilespmem:$0x18400] =	vst v63  }
0x66: {  	_ = 	snop  }
0x67: {  	[tilespmem:s5], [sflag:$0x2] =	stream.indirect.gather [hbm4b:s10+s13], $0x80, s13, s13, $0xb8;
	[tilespmem:$0x18400] =	vst v63  }
0x68: {  	_ = 	snop  }
0x69: {  	[tilespmem:s20], [sflag:$0x3] =	stream.indirect.gather [hbm4b:s10+s13], $0x80, s30, s13, $0xb8;
	[tilespmem:$0x18400] =	vst v63  }
0x6a: {  	_ = 	snop  }
0x6b: {  	[tilespmem:s18], [sflag:$0x4] =	stream.indirect.gather [hbm4b:s10+s13], $0x80, s31, s13, $0xb8;
	[tilespmem:$0x18400] =	vst v63  }
0x6c: {  	_ =	swait.ge [sflag:s8], $0x4000  }
0x6d: {  	[sflag:s8] =	ssyncset.done $0x0  }
0x6e: {  	[sflag:s8] =	ssyncadd.s32 $0xFFFFC000  }
0x6f: {  	[hbm4b:s16+s2] =	stream.linear.scatter [tilespmem:s6], [sflag:$0x7], $0x4000, $0x38;
	[tilespmem:$0x18400] =	vst v63  }
0x70: {  	_ = 	snop  }
0x71: {  	[tilespmem:s17], [sflag:$0x5] =	stream.indirect.gather [hbm4b:s10+s13], $0x80, s29, s13, $0xb8;
	[tilespmem:$0x18400] =	vst v63  }
0x72: {  	_ =	swait.ge [sflag:s7], $0x4000  }
0x73: {  	[sflag:s7] =	ssyncset.done $0x0  }
0x74: {  	s0 =	rddreg [dreg:$0x4];
	[sflag:s7] =	ssyncadd.s32 $0xFFFFC000  }
0x75: {  	[hbm4b:s0+s2] =	stream.linear.scatter [tilespmem:s5], [sflag:$0x8], $0x4000, $0x38;
	[tilespmem:$0x18400] =	vst v63  }
0x76: {  	_ = 	snop  }
0x77: {  	[tilespmem:s15], [sflag:$0x6] =	stream.indirect.gather [hbm4b:s10+s13], $0x80, s26, s13, $0xb8;
	[tilespmem:$0x18400] =	vst v63  }
0x78: {  	_ =	swait.ge [sflag:s25], $0x4000  }
0x79: {  	[sflag:s25] =	ssyncset.done $0x0  }
0x7a: {  	s0 =	rddreg [dreg:$0x5];
	[sflag:s25] =	ssyncadd.s32 $0xFFFFC000  }
0x7b: {  	[hbm4b:s0+s2] =	stream.linear.scatter [tilespmem:s20], [sflag:$0x9], $0x4000, $0x38;
	[tilespmem:$0x18400] =	vst v63  }
0x7c: {  	_ =	swait.ge [sflag:s3], $0x4000  }
0x7d: {  	[sflag:s3] =	ssyncset.done $0x0  }
0x7e: {  	[sflag:s3] =	ssyncadd.s32 $0xFFFFC000  }
0x7f: {  	[tilespmem:s6], [sflag:$0x1] =	stream.indirect.gather [hbm4b:s10+s13], $0x80, s24, s13, $0xb8;
	[tilespmem:$0x18400] =	vst v63  }
0x80: {  	_ =	swait.ge [sflag:s23], $0x4000  }
0x81: {  	[sflag:s23] =	ssyncset.done $0x0  }
0x82: {  	s0 =	rddreg [dreg:$0x6];
	[sflag:s23] =	ssyncadd.s32 $0xFFFFC000  }
0x83: {  	[hbm4b:s0+s2] =	stream.linear.scatter [tilespmem:s18], [sflag:$0xA], $0x4000, $0x38;
	[tilespmem:$0x18400] =	vst v63  }
0x84: {  	_ =	swait.ge [sflag:s4], $0x4000  }
0x85: {  	[sflag:s4] =	ssyncset.done $0x0  }
0x86: {  	[sflag:s4] =	ssyncadd.s32 $0xFFFFC000  }
0x87: {  	[tilespmem:s5], [sflag:$0x2] =	stream.indirect.gather [hbm4b:s10+s13], $0x80, s21, s13, $0xb8;
	[tilespmem:$0x18400] =	vst v63  }
0x88: {  	_ =	swait.ge [sflag:s22], $0x4000  }
0x89: {  	[sflag:s22] =	ssyncset.done $0x0  }
0x8a: {  	s0 =	rddreg [dreg:$0x7];
	[sflag:s22] =	ssyncadd.s32 $0xFFFFC000  }
0x8b: {  	[hbm4b:s0+s2] =	stream.linear.scatter [tilespmem:s17], [sflag:$0xB], $0x4000, $0x38;
	[tilespmem:$0x18400] =	vst v63  }
0x8c: {  	_ =	swait.ge [sflag:s19], $0x4000  }
0x8d: {  	[sflag:s19] =	ssyncset.done $0x0  }
0x8e: {  	s0 =	rddreg [dreg:$0x8];
	[sflag:s19] =	ssyncadd.s32 $0xFFFFC000  }
0x8f: {  	[hbm4b:s0+s2] =	stream.linear.scatter [tilespmem:s15], [sflag:$0xC], $0x4000, $0x38;
	[tilespmem:$0x18400] =	vst v63  }
0x90: {  	_ =	swait.ge [sflag:s8], $0x4000  }
0x91: {  	[sflag:s8] =	ssyncset.done $0x0  }
0x92: {  	s0 =	rddreg [dreg:$0x9];
	[sflag:s8] =	ssyncadd.s32 $0xFFFFC000  }
0x93: {  	[hbm4b:s0+s2] =	stream.linear.scatter [tilespmem:s6], [sflag:$0x7], $0x4000, $0x38;
	[tilespmem:$0x18400] =	vst v63  }
0x94: {  	_ =	swait.ge [sflag:s7], $0x4000  }
0x95: {  	[sflag:s7] =	ssyncset.done $0x0  }
0x96: {  	s0 =	rddreg [dreg:$0xa];
	[sflag:s7] =	ssyncadd.s32 $0xFFFFC000  }
0x97: {  	[hbm4b:s0+s2] =	stream.linear.scatter [tilespmem:s5], [sflag:$0x8], $0x4000, $0x38;
	[tilespmem:$0x18400] =	vst v63  }
0x98: {  	_ =	swait.ge [sflag:s14], $0x4000  }
0x99: {  	[sflag:s14] =	ssyncset.done $0x0  }
0x9a: {  	[sflag:s14] =	ssyncadd.s32 $0xFFFFC000  }
0x9b: {  	_ =	swait.ge [sflag:s12], $0x4000  }
0x9c: {  	[sflag:s12] =	ssyncset.done $0x0  }
0x9d: {  	[sflag:s12] =	ssyncadd.s32 $0xFFFFC000  }
0x9e: {  	_ =	swait.ge [sflag:s11], $0x4000  }
0x9f: {  	[sflag:s11] =	ssyncset.done $0x0  }
0xa0: {  	[sflag:s11] =	ssyncadd.s32 $0xFFFFC000  }
0xa1: {  	_ =	swait.ge [sflag:s9], $0x4000  }
0xa2: {  	[sflag:s9] =	ssyncset.done $0x0  }
0xa3: {  	p1 =	sne.s32 s1, $0x1;
	[sflag:s9] =	ssyncadd.s32 $0xFFFFC000  }
.Ltmp2:
0xa4: {  	_ =	swait.ge [sflag:s3], $0x4000;
	(pc) =	sbr.rel @p1 .LBB2_2-.Ltmp2, $4  }
0xa5: {  	[sflag:s3] =	ssyncset.done $0x0  }
0xa6: {  	[sflag:s3] =	ssyncadd.s32 $0xFFFFC000  }
0xa7: {  	_ =	swait.ge [sflag:s4], $0x4000  }
0xa8: {  	s1 =	sadd.s32 $0xFFFFFFFF, s1;
	s0 =	rddreg [dreg:$0x3];
	[sflag:s4] =	ssyncset.done $0x0  }
.LBB2_3:
0xa9: {  	[sflag:s4] =	ssyncadd.s32 @p0 $0xFFFFC000  }
0xaa: {  	[tilespmem:s2], [sflag:$0xD] =	stream.linear.gather [hbm4b:s0+s2], $0x400, $0x38;
	[tilespmem:$0x18400] =	vst v63  }
0xab: {  	_ =	swait.ge [sflag:s28], $0x400  }
0xac: {  	[sflag:s28] =	ssyncset.done $0x0  }
0xad: {  	[sflag:s28] =	ssyncadd.s32 $0xFFFFFC00  }
0xae: {  	[tilespmem:s6], [sflag:$0x1] =	stream.indirect.gather [hbm4b:s10+s13], $0x80, s2, s13, $0xb8;
	[tilespmem:$0x18400] =	vst v63  }
0xaf: {  	_ = 	snop  }
0xb0: {  	[tilespmem:s5], [sflag:$0x2] =	stream.indirect.gather [hbm4b:s10+s13], $0x80, s13, s13, $0xb8;
	[tilespmem:$0x18400] =	vst v63  }
0xb1: {  	_ = 	snop  }
0xb2: {  	[tilespmem:s20], [sflag:$0x3] =	stream.indirect.gather [hbm4b:s10+s13], $0x80, s30, s13, $0xb8;
	[tilespmem:$0x18400] =	vst v63  }
0xb3: {  	_ = 	snop  }
0xb4: {  	[tilespmem:s18], [sflag:$0x4] =	stream.indirect.gather [hbm4b:s10+s13], $0x80, s31, s13, $0xb8;
	[tilespmem:$0x18400] =	vst v63  }
0xb5: {  	_ =	swait.ge [sflag:s8], $0x4000  }
0xb6: {  	[sflag:s8] =	ssyncset.done $0x0  }
0xb7: {  	[sflag:s8] =	ssyncadd.s32 $0xFFFFC000  }
0xb8: {  	[hbm4b:s16+s2] =	stream.linear.scatter [tilespmem:s6], [sflag:$0x7], $0x4000, $0x38;
	[tilespmem:$0x18400] =	vst v63  }
0xb9: {  	_ = 	snop  }
0xba: {  	[tilespmem:s17], [sflag:$0x5] =	stream.indirect.gather [hbm4b:s10+s13], $0x80, s29, s13, $0xb8;
	[tilespmem:$0x18400] =	vst v63  }
0xbb: {  	_ =	swait.ge [sflag:s7], $0x4000  }
0xbc: {  	[sflag:s7] =	ssyncset.done $0x0  }
0xbd: {  	s1 =	rddreg [dreg:$0x4];
	[sflag:s7] =	ssyncadd.s32 $0xFFFFC000  }
0xbe: {  	[hbm4b:s1+s2] =	stream.linear.scatter [tilespmem:s5], [sflag:$0x8], $0x4000, $0x38;
	[tilespmem:$0x18400] =	vst v63  }
0xbf: {  	_ = 	snop  }
0xc0: {  	[tilespmem:s15], [sflag:$0x6] =	stream.indirect.gather [hbm4b:s10+s13], $0x80, s26, s13, $0xb8;
	[tilespmem:$0x18400] =	vst v63  }
0xc1: {  	_ =	swait.ge [sflag:s25], $0x4000  }
0xc2: {  	[sflag:s25] =	ssyncset.done $0x0  }
0xc3: {  	s16 =	rddreg [dreg:$0x5];
	[sflag:s25] =	ssyncadd.s32 $0xFFFFC000  }
0xc4: {  	[hbm4b:s16+s2] =	stream.linear.scatter [tilespmem:s20], [sflag:$0x9], $0x4000, $0x38;
	[tilespmem:$0x18400] =	vst v63  }
0xc5: {  	_ =	swait.ge [sflag:s3], $0x4000  }
0xc6: {  	[sflag:s3] =	ssyncset.done $0x0  }
0xc7: {  	[sflag:s3] =	ssyncadd.s32 $0xFFFFC000  }
0xc8: {  	[tilespmem:s6], [sflag:$0x1] =	stream.indirect.gather [hbm4b:s10+s13], $0x80, s24, s13, $0xb8;
	[tilespmem:$0x18400] =	vst v63  }
0xc9: {  	_ =	swait.ge [sflag:s23], $0x4000  }
0xca: {  	[sflag:s23] =	ssyncset.done $0x0  }
0xcb: {  	s25 =	rddreg [dreg:$0x6];
	[sflag:s23] =	ssyncadd.s32 $0xFFFFC000  }
0xcc: {  	[hbm4b:s25+s2] =	stream.linear.scatter [tilespmem:s18], [sflag:$0xA], $0x4000, $0x38;
	[tilespmem:$0x18400] =	vst v63  }
0xcd: {  	_ =	swait.ge [sflag:s4], $0x4000  }
0xce: {  	[sflag:s4] =	ssyncset.done $0x0  }
0xcf: {  	[sflag:s4] =	ssyncadd.s32 $0xFFFFC000  }
0xd0: {  	[tilespmem:s5], [sflag:$0x2] =	stream.indirect.gather [hbm4b:s10+s13], $0x80, s21, s13, $0xb8;
	[tilespmem:$0x18400] =	vst v63  }
0xd1: {  	_ =	swait.ge [sflag:s22], $0x4000  }
0xd2: {  	[sflag:s22] =	ssyncset.done $0x0  }
0xd3: {  	s26 =	rddreg [dreg:$0x7];
	[sflag:s22] =	ssyncadd.s32 $0xFFFFC000  }
0xd4: {  	[hbm4b:s26+s2] =	stream.linear.scatter [tilespmem:s17], [sflag:$0xB], $0x4000, $0x38;
	[tilespmem:$0x18400] =	vst v63  }
0xd5: {  	_ =	swait.ge [sflag:s19], $0x4000  }
0xd6: {  	[sflag:s19] =	ssyncset.done $0x0  }
0xd7: {  	s28 =	rddreg [dreg:$0x8];
	[sflag:s19] =	ssyncadd.s32 $0xFFFFC000  }
0xd8: {  	[hbm4b:s28+s2] =	stream.linear.scatter [tilespmem:s15], [sflag:$0xC], $0x4000, $0x38;
	[tilespmem:$0x18400] =	vst v63  }
0xd9: {  	_ =	swait.ge [sflag:s8], $0x4000  }
0xda: {  	[sflag:s8] =	ssyncset.done $0x0  }
0xdb: {  	s29 =	rddreg [dreg:$0x9];
	[sflag:s8] =	ssyncadd.s32 $0xFFFFC000  }
0xdc: {  	[hbm4b:s29+s2] =	stream.linear.scatter [tilespmem:s6], [sflag:$0x7], $0x4000, $0x38;
	[tilespmem:$0x18400] =	vst v63  }
0xdd: {  	_ =	swait.ge [sflag:s7], $0x4000  }
0xde: {  	[sflag:s7] =	ssyncset.done $0x0  }
0xdf: {  	s30 =	rddreg [dreg:$0xa];
	[sflag:s7] =	ssyncadd.s32 $0xFFFFC000  }
0xe0: {  	[hbm4b:s30+s2] =	stream.linear.scatter [tilespmem:s5], [sflag:$0x8], $0x4000, $0x38;
	[tilespmem:$0x18400] =	vst v63  }
0xe1: {  	_ =	swait.ge [sflag:s14], $0x4000  }
0xe2: {  	[sflag:s14] =	ssyncset.done $0x0  }
0xe3: {  	[sflag:s14] =	ssyncadd.s32 $0xFFFFC000  }
0xe4: {  	_ =	swait.ge [sflag:s12], $0x4000  }
0xe5: {  	[sflag:s12] =	ssyncset.done $0x0  }
0xe6: {  	[sflag:s12] =	ssyncadd.s32 $0xFFFFC000  }
0xe7: {  	_ =	swait.ge [sflag:s11], $0x4000  }
0xe8: {  	[sflag:s11] =	ssyncset.done $0x0  }
0xe9: {  	[sflag:s11] =	ssyncadd.s32 $0xFFFFC000  }
0xea: {  	_ =	swait.ge [sflag:s9], $0x4000  }
0xeb: {  	[sflag:s9] =	ssyncset.done $0x0  }
0xec: {  	[sflag:s9] =	ssyncadd.s32 $0xFFFFC000  }
0xed: {  	_ =	swait.ge [sflag:s3], $0x4000  }
0xee: {  	[sflag:s3] =	ssyncset.done $0x0  }
0xef: {  	[sflag:s3] =	ssyncadd.s32 $0xFFFFC000  }
0xf0: {  	_ =	swait.ge [sflag:s4], $0x4000  }
0xf1: {  	[sflag:s4] =	ssyncset.done $0x0  }
0xf2: {  	[sflag:s4] =	ssyncadd.s32 $0xFFFFC000  }
0xf3: {  	_ =	sfence.sel $0x180000  }
0xf4: {  	[bflag:$0x0] =	sbarrier.arrive $0xFFFF  }
0xf5: {  	_ =	strace $0x90000047  }
0xf6: {  	s31 =	stileid.u32;
	[bflag:$0x2] =	sbarrier.arrive $0xFFFF  }
0xf7: {  	p0 =	sne.s32 s31, $0x0;
	s0 =	rddreg [dreg:$0x2]  }
0xf8: {  	s0 =	sadd.s32 @!p0 $0x100000, s0  }
0xf9: {  	[sflag:s0] =	ssyncadd.tile.s32 @!p0 $0x1;
	_ =	shalt  }
.Lfunc_end2:
_tile_overlayer_lowered:
.L_overlay_start_2:
0xfa: {  	(tag) =	ssettag $0x2  }
0xfb: {  	s0 =	rddreg [dreg:$0x0];
	s2 =	stileid.u32  }
0xfc: {  	s1 =	rddreg [dreg:$0x1];
	p0 =	sne.s32 s2, $0x0  }
0xfd: {  	s3 =	rddreg [dreg:$0x2];
	[bflag:$0x3] =	sbarrier.arrive $0xFFFF;
	s2 =	simm.s32 @!p0 $0x1C0D  }
0xfe: {  	[timem:s3], [sflag:s2] =	dma.local @!p0 [hbm:s0], s1  }
0xff: {  	s0 =	simm.s32 @!p0 $0xD  }
0x100: {  	_ =	swait.ge @!p0 [sflag:s0], s1  }
0x101: {  	s1 =	ssub.s32 @!p0 $0x0, s1;
	[sflag:s0] =	ssyncset.done @!p0 $0x0  }
0x102: {  	[sflag:s0] =	ssyncadd.s32 @!p0 s1  }
0x103: {  	[bflag:$0x3] =	sbarrier.arrive $0xFFFF  }
0x104: {  	_ =	shalt  }

</sc_bundles>
